<compile_context>
chip_gen: v7x
topology: tpu7x:2x2x1
jax: 0.10.2.dev20260603
libtpu: 0.0.44.dev20260713+nightly
codegen_flags: <defaults>
</compile_context>

<pallas_src>
import functools

import jax
import jax.numpy as jnp
from jax import lax
from jax.experimental import pallas as pl
from jax.experimental.pallas import tpu as pltpu
from jax.experimental.pallas import tpu_sc as plsc

EPS = 1e-5
TM = 1024
_GCH = 4

_SC_CORES = 2
_SC_SUBCORES = 16
_SC_WORKERS = _SC_CORES * _SC_SUBCORES


def _dist_argmin_body(x_ref, mean_ref, denom_ref, gamma_ref, beta_ref,
                      cb_ref, b2_ref, a2_ref, idx_ref):
    xn = (x_ref[...] - mean_ref[...]) / denom_ref[...] * gamma_ref[...] + beta_ref[...]
    cb2 = cb_ref[...] + cb_ref[...]
    s2 = lax.dot_general(xn, cb2, (((1,), (1,)), ((), ())),
                         preferred_element_type=jnp.float32)
    d2 = a2_ref[...].reshape(s2.shape[0], 1) + b2_ref[...] - s2
    dist = jnp.sqrt(d2)
    idx_ref[...] = jnp.argmin(dist, axis=1).astype(jnp.int32)


def _nearest_indices(xn_inputs, n_rows, dim, num_codes):
    x, mean, denom, gamma2, beta2, codebook, b2, a2 = xn_inputs
    return pl.pallas_call(
        _dist_argmin_body,
        grid=(n_rows // TM,),
        in_specs=[
            pl.BlockSpec((TM, dim), lambda i: (i, 0)),
            pl.BlockSpec((1, dim), lambda i: (0, 0)),
            pl.BlockSpec((1, dim), lambda i: (0, 0)),
            pl.BlockSpec((1, dim), lambda i: (0, 0)),
            pl.BlockSpec((1, dim), lambda i: (0, 0)),
            pl.BlockSpec((num_codes, dim), lambda i: (0, 0)),
            pl.BlockSpec((1, num_codes), lambda i: (0, 0)),
            pl.BlockSpec((TM,), lambda i: (i,)),
        ],
        out_specs=pl.BlockSpec((TM,), lambda i: (i,)),
        out_shape=jax.ShapeDtypeStruct((n_rows,), jnp.int32),
    )(x, mean, denom, gamma2, beta2, codebook, b2, a2)


@functools.lru_cache(maxsize=None)
def _make_sc_gather(num_codes, dim, n_tokens):
    b_per_w = n_tokens // _SC_WORKERS
    ch = b_per_w // _GCH
    mesh = plsc.VectorSubcoreMesh(core_axis_name="c", subcore_axis_name="s")

    @functools.partial(
        pl.kernel, mesh=mesh,
        out_type=jax.ShapeDtypeStruct((n_tokens, dim), jnp.float32),
        scratch_types=(
            [pltpu.VMEM((b_per_w,), jnp.int32)]
            + [pltpu.VMEM((ch, dim), jnp.float32) for _ in range(_GCH)]
            + [pltpu.SemaphoreType.DMA for _ in range(_GCH)]
            + [pltpu.SemaphoreType.DMA]
        ),
    )
    def gather(table_hbm, idx_hbm, out_hbm, idx_v, *rest):
        rows = rest[:_GCH]
        gsems = rest[_GCH:2 * _GCH]
        wsem = rest[2 * _GCH]
        wid = lax.axis_index("s") * _SC_CORES + lax.axis_index("c")
        base = wid * b_per_w
        pltpu.sync_copy(idx_hbm.at[pl.ds(base, b_per_w)], idx_v)
        gets = [
            pltpu.async_copy(table_hbm.at[idx_v.at[pl.ds(c * ch, ch)]],
                             rows[c], gsems[c])
            for c in range(_GCH)
        ]
        puts = []
        for c in range(_GCH):
            gets[c].wait()
            puts.append(pltpu.async_copy(
                rows[c], out_hbm.at[pl.ds(base + c * ch, ch)], wsem))
        for p in puts:
            p.wait()

    return gather


def kernel(x, bn_gamma, bn_beta, codebook):
    n_tokens, dim = x.shape
    num_codes = codebook.shape[0]
    mean = jnp.mean(x, axis=0, keepdims=True)
    var = jnp.mean((x - mean) ** 2, axis=0, keepdims=True)
    denom = jnp.sqrt(var + EPS)
    b2 = jnp.sum(codebook * codebook, axis=-1)[None, :]
    xn_stat = (x - mean) / denom * bn_gamma + bn_beta
    a2 = jnp.sum(xn_stat * xn_stat, axis=-1)
    args = (x, mean, denom, bn_gamma[None, :], bn_beta[None, :],
            codebook, b2, a2)
    indices = _nearest_indices(args, n_tokens, dim, num_codes)
    codes = _make_sc_gather(num_codes, dim, n_tokens)(codebook, indices)
    return codes, indices.reshape(n_tokens, 1)

# --- scband reference (transcript-rebuilt; emitter-appended) ---
"""Pipeline reference for scband-robust-kmeans-quantizer-65884798320943 (READ-ONLY COPY).

The authoritative reference and input builder live on the scoring server;
editing this copy changes nothing except your own understanding.
"""

import jax, jax.numpy as jnp
import numpy as np

DIM = 256
NUM_CODES = 1024
N_TOKENS = 8192
EPS = 1e-5

def setup_inputs(seed: int = 0) -> dict:
    key = jax.random.key(seed)
    k1, k2 = jax.random.split(key, 2)
    x = jax.random.normal(k1, (N_TOKENS, DIM), dtype=jnp.float32)
    # xavier_uniform init for the embedding codebook, as in the torch module
    bound = float(np.sqrt(6.0 / (NUM_CODES + DIM)))
    codebook = jax.random.uniform(k2, (NUM_CODES, DIM), minval=-bound, maxval=bound, dtype=jnp.float32)
    bn_gamma = jnp.ones((DIM,), dtype=jnp.float32)
    bn_beta = jnp.zeros((DIM,), dtype=jnp.float32)
    return {"x": x, "bn_gamma": bn_gamma, "bn_beta": bn_beta, "codebook": codebook}

def _batchnorm(x, gamma, beta):
    # BatchNorm1d in training mode: per-batch stats, biased variance
    mean = jnp.mean(x, axis=0, keepdims=True)
    var = jnp.mean((x - mean) ** 2, axis=0, keepdims=True)
    return (x - mean) / jnp.sqrt(var + EPS) * gamma + beta

def _cdist(a, b):
    a2 = jnp.sum(a * a, axis=-1, keepdims=True)
    b2 = jnp.sum(b * b, axis=-1)[None, :]
    d2 = a2 + b2 - 2.0 * (a @ b.T)
    return jnp.sqrt(jnp.maximum(d2, 0.0))

def reference(x, bn_gamma, bn_beta, codebook):
    xn = _batchnorm(x, bn_gamma, bn_beta)
    code_dim = codebook.shape[-1]
    flat = xn.reshape(-1, code_dim)
    dist = _cdist(flat, codebook)  # torch.cdist, 'nearest' criterion
    indices = jnp.argmin(dist, axis=-1)
    codes = jnp.take(codebook, indices, axis=0)
    codes = codes.reshape(xn.shape)
    indices_out = indices.reshape(xn.shape[:-1] + (1,))
    return codes, indices_out

if __name__ == "__main__":
    import jax
    _d = setup_inputs()
    print(jax.jit(kernel)(*tuple(_d.values())))

</pallas_src>

<mosaic_0001>
#map = affine_map<(d0, d1) -> (0, 0)>
#map1 = affine_map<(d0, d1) -> (0)>
module attributes {stable_mosaic.version = 14 : i64} {
  func.func @gather(%arg0: i32, %arg1: i32, %arg2: memref<1024x256xf32, #tpu.memory_space<hbm>>, %arg3: memref<8192xi32, #tpu.memory_space<hbm>>, %arg4: memref<8192x256xf32, #tpu.memory_space<hbm>>, %arg5: memref<256xi32, #tpu.memory_space<vmem>>, %arg6: memref<64x256xf32, #tpu.memory_space<vmem>>, %arg7: memref<64x256xf32, #tpu.memory_space<vmem>>, %arg8: memref<64x256xf32, #tpu.memory_space<vmem>>, %arg9: memref<64x256xf32, #tpu.memory_space<vmem>>, %arg10: memref<!tpu.dma_semaphore, #tpu.memory_space<semaphore_mem>>, %arg11: memref<!tpu.dma_semaphore, #tpu.memory_space<semaphore_mem>>, %arg12: memref<!tpu.dma_semaphore, #tpu.memory_space<semaphore_mem>>, %arg13: memref<!tpu.dma_semaphore, #tpu.memory_space<semaphore_mem>>, %arg14: memref<!tpu.dma_semaphore, #tpu.memory_space<semaphore_mem>>) attributes {dimension_semantics = [#tpu.dimension_semantics<core_parallel>, #tpu.dimension_semantics<subcore_parallel>], iteration_bounds = array<i64: 2, 16>, scalar_prefetch = 0 : i64, scratch_operands = 10 : i64, tpu.core_type = #tpu.core_type<sc_vector_subcore>, window_params = [{transform_indices = #map}, {transform_indices = #map1}, {transform_indices = #map}]} {
    %mul3A = arith.constant 2 : i32
    %mul3A_0 = arith.muli %arg1, %mul3A : i32
    %add3A = arith.addi %mul3A_0, %arg0 : i32
    %mul3A_1 = arith.constant 256 : i32
    %mul3A_2 = arith.muli %add3A, %mul3A_1 : i32
    "tpu.region"() ({
      %run_scoped3A = tpu.sem_alloc : memref<!tpu.dma_semaphore, #tpu.memory_space<semaphore_mem>>
      %dma_start3A_81 = tpu.memref_slice %arg3[%mul3A_2] : memref<8192xi32, #tpu.memory_space<hbm>> -> memref<256xi32, #tpu.memory_space<hbm>>
      %dma_start3A_82 = tpu.memref_slice %arg3[%mul3A_2] : memref<8192xi32, #tpu.memory_space<hbm>> -> memref<256xi32, #tpu.memory_space<hbm>>
      tpu.enqueue_dma source(%dma_start3A_82 : memref<256xi32, #tpu.memory_space<hbm>>) target(%arg5 : memref<256xi32, #tpu.memory_space<vmem>>) target_semaphore(%run_scoped3A : memref<!tpu.dma_semaphore, #tpu.memory_space<semaphore_mem>>)
      %dma_wait3A_83 = tpu.memref_slice %arg3[%mul3A_2] : memref<8192xi32, #tpu.memory_space<hbm>> -> memref<256xi32, #tpu.memory_space<hbm>>
      %dma_wait3A_84 = tpu.memref_slice %arg3[%mul3A_2] : memref<8192xi32, #tpu.memory_space<hbm>> -> memref<256xi32, #tpu.memory_space<hbm>>
      tpu.wait_dma2 semaphore(%run_scoped3A : memref<!tpu.dma_semaphore, #tpu.memory_space<semaphore_mem>>) src(%dma_wait3A_84 : memref<256xi32, #tpu.memory_space<hbm>>) dst(%arg5 : memref<256xi32, #tpu.memory_space<vmem>>)
      tpu.yield
    }) : () -> ()
    %dma_start3A = arith.constant 0 : i32
    %dma_start3A_3 = tpu.memref_slice %arg5[%dma_start3A] : memref<256xi32, #tpu.memory_space<vmem>> -> memref<64xi32, #tpu.memory_space<vmem>>
    %dma_start3A_4 = arith.constant 0 : i32
    %dma_start3A_5 = arith.constant 0 : i32
    %dma_start3A_6 = tpu.memref_slice %arg2[%dma_start3A_4, %dma_start3A_5] : memref<1024x256xf32, #tpu.memory_space<hbm>> -> memref<1024x256xf32, #tpu.memory_space<hbm>>
    tpu.enqueue_indirect_dma source(%dma_start3A_6 : memref<1024x256xf32, #tpu.memory_space<hbm>>) target(%arg6 : memref<64x256xf32, #tpu.memory_space<vmem>>) offsets(%dma_start3A_3 : memref<64xi32, #tpu.memory_space<vmem>>) semaphore(%arg10 : memref<!tpu.dma_semaphore, #tpu.memory_space<semaphore_mem>>)
    %dma_start3A_7 = arith.constant 64 : i32
    %dma_start3A_8 = tpu.memref_slice %arg5[%dma_start3A_7] : memref<256xi32, #tpu.memory_space<vmem>> -> memref<64xi32, #tpu.memory_space<vmem>>
    %dma_start3A_9 = arith.constant 0 : i32
    %dma_start3A_10 = arith.constant 0 : i32
    %dma_start3A_11 = tpu.memref_slice %arg2[%dma_start3A_9, %dma_start3A_10] : memref<1024x256xf32, #tpu.memory_space<hbm>> -> memref<1024x256xf32, #tpu.memory_space<hbm>>
    tpu.enqueue_indirect_dma source(%dma_start3A_11 : memref<1024x256xf32, #tpu.memory_space<hbm>>) target(%arg7 : memref<64x256xf32, #tpu.memory_space<vmem>>) offsets(%dma_start3A_8 : memref<64xi32, #tpu.memory_space<vmem>>) semaphore(%arg11 : memref<!tpu.dma_semaphore, #tpu.memory_space<semaphore_mem>>)
    %dma_start3A_12 = arith.constant 128 : i32
    %dma_start3A_13 = tpu.memref_slice %arg5[%dma_start3A_12] : memref<256xi32, #tpu.memory_space<vmem>> -> memref<64xi32, #tpu.memory_space<vmem>>
    %dma_start3A_14 = arith.constant 0 : i32
    %dma_start3A_15 = arith.constant 0 : i32
    %dma_start3A_16 = tpu.memref_slice %arg2[%dma_start3A_14, %dma_start3A_15] : memref<1024x256xf32, #tpu.memory_space<hbm>> -> memref<1024x256xf32, #tpu.memory_space<hbm>>
    tpu.enqueue_indirect_dma source(%dma_start3A_16 : memref<1024x256xf32, #tpu.memory_space<hbm>>) target(%arg8 : memref<64x256xf32, #tpu.memory_space<vmem>>) offsets(%dma_start3A_13 : memref<64xi32, #tpu.memory_space<vmem>>) semaphore(%arg12 : memref<!tpu.dma_semaphore, #tpu.memory_space<semaphore_mem>>)
    %dma_start3A_17 = arith.constant 192 : i32
    %dma_start3A_18 = tpu.memref_slice %arg5[%dma_start3A_17] : memref<256xi32, #tpu.memory_space<vmem>> -> memref<64xi32, #tpu.memory_space<vmem>>
    %dma_start3A_19 = arith.constant 0 : i32
    %dma_start3A_20 = arith.constant 0 : i32
    %dma_start3A_21 = tpu.memref_slice %arg2[%dma_start3A_19, %dma_start3A_20] : memref<1024x256xf32, #tpu.memory_space<hbm>> -> memref<1024x256xf32, #tpu.memory_space<hbm>>
    tpu.enqueue_indirect_dma source(%dma_start3A_21 : memref<1024x256xf32, #tpu.memory_space<hbm>>) target(%arg9 : memref<64x256xf32, #tpu.memory_space<vmem>>) offsets(%dma_start3A_18 : memref<64xi32, #tpu.memory_space<vmem>>) semaphore(%arg13 : memref<!tpu.dma_semaphore, #tpu.memory_space<semaphore_mem>>)
    %dma_wait3A = arith.constant 0 : i32
    %dma_wait3A_22 = tpu.memref_slice %arg5[%dma_wait3A] : memref<256xi32, #tpu.memory_space<vmem>> -> memref<64xi32, #tpu.memory_space<vmem>>
    %dma_wait3A_23 = arith.constant 0 : i32
    %dma_wait3A_24 = arith.constant 0 : i32
    %dma_wait3A_25 = tpu.memref_slice %arg2[%dma_wait3A_23, %dma_wait3A_24] : memref<1024x256xf32, #tpu.memory_space<hbm>> -> memref<1024x256xf32, #tpu.memory_space<hbm>>
    tpu.wait_indirect_dma semaphore(%arg10 : memref<!tpu.dma_semaphore, #tpu.memory_space<semaphore_mem>>) src(%dma_wait3A_25 : memref<1024x256xf32, #tpu.memory_space<hbm>>) dst(%arg6 : memref<64x256xf32, #tpu.memory_space<vmem>>)
    %add3A_26 = arith.constant 0 : i32
    %add3A_27 = arith.addi %mul3A_2, %add3A_26 : i32
    %dma_start3A_28 = arith.constant 0 : i32
    %dma_start3A_29 = tpu.memref_slice %arg4[%add3A_27, %dma_start3A_28] : memref<8192x256xf32, #tpu.memory_space<hbm>> -> memref<64x256xf32, #tpu.memory_space<hbm>>
    %dma_start3A_30 = arith.constant 0 : i32
    %dma_start3A_31 = tpu.memref_slice %arg4[%add3A_27, %dma_start3A_30] : memref<8192x256xf32, #tpu.memory_space<hbm>> -> memref<64x256xf32, #tpu.memory_space<hbm>>
    tpu.enqueue_dma source(%arg6 : memref<64x256xf32, #tpu.memory_space<vmem>>) target(%dma_start3A_31 : memref<64x256xf32, #tpu.memory_space<hbm>>) target_semaphore(%arg14 : memref<!tpu.dma_semaphore, #tpu.memory_space<semaphore_mem>>)
    %dma_wait3A_32 = arith.constant 64 : i32
    %dma_wait3A_33 = tpu.memref_slice %arg5[%dma_wait3A_32] : memref<256xi32, #tpu.memory_space<vmem>> -> memref<64xi32, #tpu.memory_space<vmem>>
    %dma_wait3A_34 = arith.constant 0 : i32
    %dma_wait3A_35 = arith.constant 0 : i32
    %dma_wait3A_36 = tpu.memref_slice %arg2[%dma_wait3A_34, %dma_wait3A_35] : memref<1024x256xf32, #tpu.memory_space<hbm>> -> memref<1024x256xf32, #tpu.memory_space<hbm>>
    tpu.wait_indirect_dma semaphore(%arg11 : memref<!tpu.dma_semaphore, #tpu.memory_space<semaphore_mem>>) src(%dma_wait3A_36 : memref<1024x256xf32, #tpu.memory_space<hbm>>) dst(%arg7 : memref<64x256xf32, #tpu.memory_space<vmem>>)
    %add3A_37 = arith.constant 64 : i32
    %add3A_38 = arith.addi %mul3A_2, %add3A_37 : i32
    %dma_start3A_39 = arith.constant 0 : i32
    %dma_start3A_40 = tpu.memref_slice %arg4[%add3A_38, %dma_start3A_39] : memref<8192x256xf32, #tpu.memory_space<hbm>> -> memref<64x256xf32, #tpu.memory_space<hbm>>
    %dma_start3A_41 = arith.constant 0 : i32
    %dma_start3A_42 = tpu.memref_slice %arg4[%add3A_38, %dma_start3A_41] : memref<8192x256xf32, #tpu.memory_space<hbm>> -> memref<64x256xf32, #tpu.memory_space<hbm>>
    tpu.enqueue_dma source(%arg7 : memref<64x256xf32, #tpu.memory_space<vmem>>) target(%dma_start3A_42 : memref<64x256xf32, #tpu.memory_space<hbm>>) target_semaphore(%arg14 : memref<!tpu.dma_semaphore, #tpu.memory_space<semaphore_mem>>)
    %dma_wait3A_43 = arith.constant 128 : i32
    %dma_wait3A_44 = tpu.memref_slice %arg5[%dma_wait3A_43] : memref<256xi32, #tpu.memory_space<vmem>> -> memref<64xi32, #tpu.memory_space<vmem>>
    %dma_wait3A_45 = arith.constant 0 : i32
    %dma_wait3A_46 = arith.constant 0 : i32
    %dma_wait3A_47 = tpu.memref_slice %arg2[%dma_wait3A_45, %dma_wait3A_46] : memref<1024x256xf32, #tpu.memory_space<hbm>> -> memref<1024x256xf32, #tpu.memory_space<hbm>>
    tpu.wait_indirect_dma semaphore(%arg12 : memref<!tpu.dma_semaphore, #tpu.memory_space<semaphore_mem>>) src(%dma_wait3A_47 : memref<1024x256xf32, #tpu.memory_space<hbm>>) dst(%arg8 : memref<64x256xf32, #tpu.memory_space<vmem>>)
    %add3A_48 = arith.constant 128 : i32
    %add3A_49 = arith.addi %mul3A_2, %add3A_48 : i32
    %dma_start3A_50 = arith.constant 0 : i32
    %dma_start3A_51 = tpu.memref_slice %arg4[%add3A_49, %dma_start3A_50] : memref<8192x256xf32, #tpu.memory_space<hbm>> -> memref<64x256xf32, #tpu.memory_space<hbm>>
    %dma_start3A_52 = arith.constant 0 : i32
    %dma_start3A_53 = tpu.memref_slice %arg4[%add3A_49, %dma_start3A_52] : memref<8192x256xf32, #tpu.memory_space<hbm>> -> memref<64x256xf32, #tpu.memory_space<hbm>>
    tpu.enqueue_dma source(%arg8 : memref<64x256xf32, #tpu.memory_space<vmem>>) target(%dma_start3A_53 : memref<64x256xf32, #tpu.memory_space<hbm>>) target_semaphore(%arg14 : memref<!tpu.dma_semaphore, #tpu.memory_space<semaphore_mem>>)
    %dma_wait3A_54 = arith.constant 192 : i32
    %dma_wait3A_55 = tpu.memref_slice %arg5[%dma_wait3A_54] : memref<256xi32, #tpu.memory_space<vmem>> -> memref<64xi32, #tpu.memory_space<vmem>>
    %dma_wait3A_56 = arith.constant 0 : i32
    %dma_wait3A_57 = arith.constant 0 : i32
    %dma_wait3A_58 = tpu.memref_slice %arg2[%dma_wait3A_56, %dma_wait3A_57] : memref<1024x256xf32, #tpu.memory_space<hbm>> -> memref<1024x256xf32, #tpu.memory_space<hbm>>
    tpu.wait_indirect_dma semaphore(%arg13 : memref<!tpu.dma_semaphore, #tpu.memory_space<semaphore_mem>>) src(%dma_wait3A_58 : memref<1024x256xf32, #tpu.memory_space<hbm>>) dst(%arg9 : memref<64x256xf32, #tpu.memory_space<vmem>>)
    %add3A_59 = arith.constant 192 : i32
    %add3A_60 = arith.addi %mul3A_2, %add3A_59 : i32
    %dma_start3A_61 = arith.constant 0 : i32
    %dma_start3A_62 = tpu.memref_slice %arg4[%add3A_60, %dma_start3A_61] : memref<8192x256xf32, #tpu.memory_space<hbm>> -> memref<64x256xf32, #tpu.memory_space<hbm>>
    %dma_start3A_63 = arith.constant 0 : i32
    %dma_start3A_64 = tpu.memref_slice %arg4[%add3A_60, %dma_start3A_63] : memref<8192x256xf32, #tpu.memory_space<hbm>> -> memref<64x256xf32, #tpu.memory_space<hbm>>
    tpu.enqueue_dma source(%arg9 : memref<64x256xf32, #tpu.memory_space<vmem>>) target(%dma_start3A_64 : memref<64x256xf32, #tpu.memory_space<hbm>>) target_semaphore(%arg14 : memref<!tpu.dma_semaphore, #tpu.memory_space<semaphore_mem>>)
    %dma_wait3A_65 = arith.constant 0 : i32
    %dma_wait3A_66 = tpu.memref_slice %arg4[%add3A_27, %dma_wait3A_65] : memref<8192x256xf32, #tpu.memory_space<hbm>> -> memref<64x256xf32, #tpu.memory_space<hbm>>
    %dma_wait3A_67 = arith.constant 0 : i32
    %dma_wait3A_68 = tpu.memref_slice %arg4[%add3A_27, %dma_wait3A_67] : memref<8192x256xf32, #tpu.memory_space<hbm>> -> memref<64x256xf32, #tpu.memory_space<hbm>>
    tpu.wait_dma2 semaphore(%arg14 : memref<!tpu.dma_semaphore, #tpu.memory_space<semaphore_mem>>) src(%arg6 : memref<64x256xf32, #tpu.memory_space<vmem>>) dst(%dma_wait3A_68 : memref<64x256xf32, #tpu.memory_space<hbm>>)
    %dma_wait3A_69 = arith.constant 0 : i32
    %dma_wait3A_70 = tpu.memref_slice %arg4[%add3A_38, %dma_wait3A_69] : memref<8192x256xf32, #tpu.memory_space<hbm>> -> memref<64x256xf32, #tpu.memory_space<hbm>>
    %dma_wait3A_71 = arith.constant 0 : i32
    %dma_wait3A_72 = tpu.memref_slice %arg4[%add3A_38, %dma_wait3A_71] : memref<8192x256xf32, #tpu.memory_space<hbm>> -> memref<64x256xf32, #tpu.memory_space<hbm>>
    tpu.wait_dma2 semaphore(%arg14 : memref<!tpu.dma_semaphore, #tpu.memory_space<semaphore_mem>>) src(%arg7 : memref<64x256xf32, #tpu.memory_space<vmem>>) dst(%dma_wait3A_72 : memref<64x256xf32, #tpu.memory_space<hbm>>)
    %dma_wait3A_73 = arith.constant 0 : i32
    %dma_wait3A_74 = tpu.memref_slice %arg4[%add3A_49, %dma_wait3A_73] : memref<8192x256xf32, #tpu.memory_space<hbm>> -> memref<64x256xf32, #tpu.memory_space<hbm>>
    %dma_wait3A_75 = arith.constant 0 : i32
    %dma_wait3A_76 = tpu.memref_slice %arg4[%add3A_49, %dma_wait3A_75] : memref<8192x256xf32, #tpu.memory_space<hbm>> -> memref<64x256xf32, #tpu.memory_space<hbm>>
    tpu.wait_dma2 semaphore(%arg14 : memref<!tpu.dma_semaphore, #tpu.memory_space<semaphore_mem>>) src(%arg8 : memref<64x256xf32, #tpu.memory_space<vmem>>) dst(%dma_wait3A_76 : memref<64x256xf32, #tpu.memory_space<hbm>>)
    %dma_wait3A_77 = arith.constant 0 : i32
    %dma_wait3A_78 = tpu.memref_slice %arg4[%add3A_60, %dma_wait3A_77] : memref<8192x256xf32, #tpu.memory_space<hbm>> -> memref<64x256xf32, #tpu.memory_space<hbm>>
    %dma_wait3A_79 = arith.constant 0 : i32
    %dma_wait3A_80 = tpu.memref_slice %arg4[%add3A_60, %dma_wait3A_79] : memref<8192x256xf32, #tpu.memory_space<hbm>> -> memref<64x256xf32, #tpu.memory_space<hbm>>
    tpu.wait_dma2 semaphore(%arg14 : memref<!tpu.dma_semaphore, #tpu.memory_space<semaphore_mem>>) src(%arg9 : memref<64x256xf32, #tpu.memory_space<vmem>>) dst(%dma_wait3A_80 : memref<64x256xf32, #tpu.memory_space<hbm>>)
    return
  }
}

module attributes {stable_mosaic.version = 14 : i64} {
  func.func @_dist_argmin_body(%arg0: i32, %arg1: memref<1024x256xf32, #tpu.memory_space<vmem>>, %arg2: memref<1x256xf32, #tpu.memory_space<vmem>>, %arg3: memref<1x256xf32, #tpu.memory_space<vmem>>, %arg4: memref<1x256xf32, #tpu.memory_space<vmem>>, %arg5: memref<1x256xf32, #tpu.memory_space<vmem>>, %arg6: memref<1024x256xf32, #tpu.memory_space<vmem>>, %arg7: memref<1x1024xf32, #tpu.memory_space<vmem>>, %arg8: memref<1024xf32, #tpu.memory_space<vmem>>, %arg9: memref<1024xi32, #tpu.memory_space<vmem>>) attributes {dimension_semantics = [#tpu.dimension_semantics<arbitrary>], iteration_bounds = array<i64: 8>, scalar_prefetch = 0 : i64, scratch_operands = 0 : i64, tpu.core_type = #tpu.core_type<tc>, window_params = [{transform_indices = @transform_0, window_bounds = array<i64: 1024, 256>}, {pipeline_mode = #tpu.pipeline_mode<synchronous>, transform_indices = @transform_1, window_bounds = array<i64: 1, 256>}, {pipeline_mode = #tpu.pipeline_mode<synchronous>, transform_indices = @transform_2, window_bounds = array<i64: 1, 256>}, {pipeline_mode = #tpu.pipeline_mode<synchronous>, transform_indices = @transform_3, window_bounds = array<i64: 1, 256>}, {pipeline_mode = #tpu.pipeline_mode<synchronous>, transform_indices = @transform_4, window_bounds = array<i64: 1, 256>}, {pipeline_mode = #tpu.pipeline_mode<synchronous>, transform_indices = @transform_5, window_bounds = array<i64: 1024, 256>}, {pipeline_mode = #tpu.pipeline_mode<synchronous>, transform_indices = @transform_6, window_bounds = array<i64: 1, 1024>}, {transform_indices = @transform_7, window_bounds = array<i64: 1024>}, {transform_indices = @transform_8, window_bounds = array<i64: 1024>}]} {
    %get3A = arith.constant 0 : index
    %get3A_0 = arith.constant 0 : index
    %get3A_1 = vector.load %arg1[%get3A, %get3A_0] : memref<1024x256xf32, #tpu.memory_space<vmem>>, vector<1024x256xf32>
    %get3A_2 = arith.constant 0 : index
    %get3A_3 = arith.constant 0 : index
    %get3A_4 = vector.load %arg2[%get3A_2, %get3A_3] : memref<1x256xf32, #tpu.memory_space<vmem>>, vector<1x256xf32>
    %sub3A = vector.broadcast %get3A_4 : vector<1x256xf32> to vector<1024x256xf32>
    %sub3A_5 = arith.subf %get3A_1, %sub3A : vector<1024x256xf32>
    %get3A_6 = arith.constant 0 : index
    %get3A_7 = arith.constant 0 : index
    %get3A_8 = vector.load %arg3[%get3A_6, %get3A_7] : memref<1x256xf32, #tpu.memory_space<vmem>>, vector<1x256xf32>
    %div3A = vector.broadcast %get3A_8 : vector<1x256xf32> to vector<1024x256xf32>
    %div3A_9 = arith.divf %sub3A_5, %div3A : vector<1024x256xf32>
    %get3A_10 = arith.constant 0 : index
    %get3A_11 = arith.constant 0 : index
    %get3A_12 = vector.load %arg4[%get3A_10, %get3A_11] : memref<1x256xf32, #tpu.memory_space<vmem>>, vector<1x256xf32>
    %mul3A = vector.broadcast %get3A_12 : vector<1x256xf32> to vector<1024x256xf32>
    %mul3A_13 = arith.mulf %div3A_9, %mul3A : vector<1024x256xf32>
    %get3A_14 = arith.constant 0 : index
    %get3A_15 = arith.constant 0 : index
    %get3A_16 = vector.load %arg5[%get3A_14, %get3A_15] : memref<1x256xf32, #tpu.memory_space<vmem>>, vector<1x256xf32>
    %add3A = vector.broadcast %get3A_16 : vector<1x256xf32> to vector<1024x256xf32>
    %add3A_17 = arith.addf %mul3A_13, %add3A : vector<1024x256xf32>
    %get3A_18 = arith.constant 0 : index
    %get3A_19 = arith.constant 0 : index
    %get3A_20 = vector.load %arg6[%get3A_18, %get3A_19] : memref<1024x256xf32, #tpu.memory_space<vmem>>, vector<1024x256xf32>
    %get3A_21 = arith.constant 0 : index
    %get3A_22 = arith.constant 0 : index
    %get3A_23 = vector.load %arg6[%get3A_21, %get3A_22] : memref<1024x256xf32, #tpu.memory_space<vmem>>, vector<1024x256xf32>
    %add3A_24 = arith.addf %get3A_20, %get3A_23 : vector<1024x256xf32>
    %dot_general3A = arith.constant dense<0.000000e+00> : vector<1024x1024xf32>
    %dot_general3A_25 = tpu.matmul %add3A_17, %add3A_24, %dot_general3A {dimension_numbers = #tpu.dot_dimension_numbers<[1], [1], [0], [0], [0, 0, 1, 0], [], []>, transpose_lhs_hint = false} : vector<1024x256xf32>, vector<1024x256xf32>, vector<1024x1024xf32> -> vector<1024x1024xf32>
    %get3A_26 = arith.constant 0 : index
    %get3A_27 = vector.load %arg8[%get3A_26] : memref<1024xf32, #tpu.memory_space<vmem>>, vector<1024xf32>
    %reshape3A = vector.shape_cast %get3A_27 : vector<1024xf32> to vector<1024x1xf32>
    %get3A_28 = arith.constant 0 : index
    %get3A_29 = arith.constant 0 : index
    %get3A_30 = vector.load %arg7[%get3A_28, %get3A_29] : memref<1x1024xf32, #tpu.memory_space<vmem>>, vector<1x1024xf32>
    %add3A_31 = vector.broadcast %reshape3A : vector<1024x1xf32> to vector<1024x1024xf32>
    %add3A_32 = vector.broadcast %get3A_30 : vector<1x1024xf32> to vector<1024x1024xf32>
    %add3A_33 = arith.addf %add3A_31, %add3A_32 : vector<1024x1024xf32>
    %sub3A_34 = arith.subf %add3A_33, %dot_general3A_25 : vector<1024x1024xf32>
    %sqrt3A = math.sqrt %sub3A_34 : vector<1024x1024xf32>
    %argmin3A = tpu.reduce_index %sqrt3A {axis = 1 : i32, kind = #tpu.reduction_kind<arg_min>} : vector<1024x1024xf32> -> vector<1024xi32>
    %swap3A = arith.constant 0 : index
    %swap3A_35 = vector.load %arg9[%swap3A] : memref<1024xi32, #tpu.memory_space<vmem>>, vector<1024xi32>
    tpu.vector_store %arg9[%swap3A], %argmin3A {strides = array<i32>} : memref<1024xi32, #tpu.memory_space<vmem>>, vector<1024xi32>,
    return
  }
  func.func @transform_0(%arg0: i32) -> (i32, i32) {
    %c0_i32 = arith.constant 0 : i32
    %c0_i32_0 = arith.constant 0 : i32
    return %arg0, %c0_i32 : i32, i32
  }
  func.func @transform_1(%arg0: i32) -> (i32, i32) {
    %c0_i32 = arith.constant 0 : i32
    %c0_i32_0 = arith.constant 0 : i32
    %c0_i32_1 = arith.constant 0 : i32
    return %c0_i32, %c0_i32_0 : i32, i32
  }
  func.func @transform_2(%arg0: i32) -> (i32, i32) {
    %c0_i32 = arith.constant 0 : i32
    %c0_i32_0 = arith.constant 0 : i32
    %c0_i32_1 = arith.constant 0 : i32
    return %c0_i32, %c0_i32_0 : i32, i32
  }
  func.func @transform_3(%arg0: i32) -> (i32, i32) {
    %c0_i32 = arith.constant 0 : i32
    %c0_i32_0 = arith.constant 0 : i32
    %c0_i32_1 = arith.constant 0 : i32
    return %c0_i32, %c0_i32_0 : i32, i32
  }
  func.func @transform_4(%arg0: i32) -> (i32, i32) {
    %c0_i32 = arith.constant 0 : i32
    %c0_i32_0 = arith.constant 0 : i32
    %c0_i32_1 = arith.constant 0 : i32
    return %c0_i32, %c0_i32_0 : i32, i32
  }
  func.func @transform_5(%arg0: i32) -> (i32, i32) {
    %c0_i32 = arith.constant 0 : i32
    %c0_i32_0 = arith.constant 0 : i32
    %c0_i32_1 = arith.constant 0 : i32
    return %c0_i32, %c0_i32_0 : i32, i32
  }
  func.func @transform_6(%arg0: i32) -> (i32, i32) {
    %c0_i32 = arith.constant 0 : i32
    %c0_i32_0 = arith.constant 0 : i32
    %c0_i32_1 = arith.constant 0 : i32
    return %c0_i32, %c0_i32_0 : i32, i32
  }
  func.func @transform_7(%arg0: i32) -> i32 {
    %c0_i32 = arith.constant 0 : i32
    return %arg0 : i32
  }
  func.func @transform_8(%arg0: i32) -> i32 {
    %c0_i32 = arith.constant 0 : i32
    return %arg0 : i32
  }
}

</mosaic_0001>

<sc_bundles>
// kernel: kernel.4.cloned.1.call-start
scs
__scs_entry_jumppad:
0x0: {  	(pc) =	sbr.rel $0x88, $3  }
0x1: {  	(tag) =	ssettag $0x0;
	lr =	simm.s32 $0x1  }
0x2: {  	[smem:$0x3F9D] =	sst lr;
	_ =	strace $0xD0000000  }
0x3: {  	_ = 	snop  }
0x4: {  	_ = 	snop  }
0x5: {  	_ = 	snop  }
0x6: {  	_ = 	snop  }
0x7: {  	_ = 	snop  }
__scs_overlays_trampoline_lowered:
0x8: {  	[smem:$0x3FAC] =	sst s0  }
0x9: {  	[smem:$0x3FAD] =	sst s1  }
0xa: {  	[smem:$0x3FAE] =	sst s2  }
0xb: {  	[smem:$0x3FAF] =	sst s3  }
0xc: {  	[smem:$0x3FB0] =	sst s4  }
0xd: {  	[smem:$0x3FB1] =	sst s5  }
0xe: {  	[smem:$0x3FB2] =	sst s6  }
0xf: {  	[smem:$0x3FB3] =	sst s7  }
0x10: {  	[smem:$0x3FB4] =	sst s8  }
0x11: {  	[smem:$0x3FB5] =	sst s9;
	s0 =	simm.s32 @!p0 $0x0  }
0x12: {  	s1 =	sld [smem:$0x3F9B];
	s0 =	simm.s32 @p0 $0x1  }
0x13: {  	[smem:$0x3FB6] =	sst s0;
	s0 =	simm.s32 @!p1 $0x0  }
0x14: {  	s2 =	sld [smem:$0x3F9A];
	s0 =	simm.s32 @p1 $0x1  }
0x15: {  	[smem:$0x3FB7] =	sst s0;
	s0 =	simm.s32 @!p2 $0x0  }
0x16: {  	s3 =	sld [smem:$0x3FDB];
	s0 =	simm.s32 @p2 $0x1  }
0x17: {  	s4 =	simm.s32 $0x1BF5;
	[smem:$0x3FB9] =	sst s0  }
0x18: {  	s0 =	sld [smem:$0x3F9C];
	_ =	swait.ge [sflag:s4], $0x0  }
0x19: {  	s7 =	sld [smem:$0x3F9D]  }
0x1a: {  	s8 =	sadd.s32 $0xFFFFE003, lr  }
0x1b: {  	s9 =	sadd.s32 $0xFFFFFEF7, lr;
	s5 =	simm.s32 $0xFFFFFFFF;
	p2 =	slt.u32 s8, $0xFFFFF086  }
0x1c: {  	p1 =	slt.u32 s9, $0xF7A;
	s5 =	simm.s32 @!p2 $0x0  }
0x1d: {  	s5 =	simm.s32 @p1 $0x1;
	p0 =	seq.s32 s7, s2  }
0x1e: {  	s7 =	smul.u32 @!p0 $0xF7A, s2;
	p2 =	seq.s32 @!p0 s5, $0x0  }
0x1f: {  	s9 =	smul.u32 $0xF7A, s1;
	s8 =	simm.s32 @!p0 $0x1BF5;
	p2 =	por !p2, p0  }
0x20: {  	[sflag:s8] =	ssyncset.s32 @!p0 $0xFFFFF086;
	s6 =	sadd.s32 @!p0 s3, s7;
	s7 =	simm.s32 @!p0 $0x108  }
0x21: {  	s3 =	sadd.s32 s3, s9;
	s6 =	sadd.s32 @!p0 $0x88, s6;
	s7 =	simm.s32 @p2 $0x1082  }
0x22: {  	[simem:s7], [sflag:s8] =	dma.local @!p0 [hbm:s6], $0xF7A  }
0x23: {  	s9 =	sor.u32 $0xD0000000, s2;
	s6 =	simm.s32 $0x108;
	_ =	swait.ge @!p0 [sflag:s8], $0x0  }
0x24: {  	s3 =	sadd.s32 $0x88, s3;
	s6 =	simm.s32 @!p1 $0x1082;
	[sflag:s4] =	ssyncset.s32 $0xFFFFF086  }
0x25: {  	[simem:s6], [sflag:s4] =	dma.local [hbm:s3], $0xF7A  }
0x26: {  	[smem:$0x3F9D] =	sst s1;
	(tag) =	ssettag s2;
	_ =	strace s9  }
0x27: {  	s1 =	sld [smem:$0x3FAD]  }
0x28: {  	s2 =	sld [smem:$0x3FAE]  }
0x29: {  	s4 =	sld [smem:$0x3FB0]  }
0x2a: {  	p0 =	seq.s32 s5, $0x0;
	s5 =	sld [smem:$0x3FB1]  }
0x2b: {  	s6 =	sld [smem:$0x3FB2]  }
0x2c: {  	s7 =	sld [smem:$0x3FB3]  }
0x2d: {  	s3 =	simm.s32 $0x108;
	s8 =	sld [smem:$0x3FB4]  }
0x2e: {  	s3 =	simm.s32 @!p0 $0x1082;
	s9 =	sld [smem:$0x3FB5]  }
0x2f: {  	lr =	sadd.s32 s0, s3;
	s0 =	sld [smem:$0x3FAC]  }
0x30: {  	s3 =	sld [smem:$0x3FAF]  }
0x31: {  	[smem:$0x3FB8] =	sst s10  }
0x32: {  	s10 =	sld [smem:$0x3FB6];
	_ =	sdelay $0x3  }
0x33: {  	p0 =	seq.s32 s10, $0x1;
	s10 =	sld [smem:$0x3FB8];
	_ =	sdelay $0x3  }
0x34: {  	[smem:$0x3FB8] =	sst s10  }
0x35: {  	s10 =	sld [smem:$0x3FB7];
	_ =	sdelay $0x3  }
0x36: {  	p1 =	seq.s32 s10, $0x1;
	s10 =	sld [smem:$0x3FB8];
	_ =	sdelay $0x3  }
0x37: {  	[smem:$0x3FB8] =	sst s10  }
0x38: {  	s10 =	sld [smem:$0x3FB9]  }
0x39: {  	_ = 	snop;
	(pc) =	sbr.ind lr, $3  }
0x3a: {  	_ = 	snop  }
0x3b: {  	_ = 	snop  }
0x3c: {  	p2 =	seq.s32 s10, $0x1;
	s10 =	sld [smem:$0x3FB8]  }
0x3d: {  	_ =	shalt  }
0x3e: {  	_ =	shalt  }
0x3f: {  	_ =	shalt  }
0x40: {  	_ =	shalt  }
0x41: {  	_ =	shalt  }
0x42: {  	_ =	shalt  }
0x43: {  	_ =	shalt  }
0x44: {  	_ =	shalt  }
0x45: {  	_ =	shalt  }
0x46: {  	_ =	shalt  }
0x47: {  	_ =	shalt  }
0x48: {  	_ =	shalt  }
0x49: {  	_ =	shalt  }
0x4a: {  	_ =	shalt  }
0x4b: {  	_ =	shalt  }
0x4c: {  	_ =	shalt  }
0x4d: {  	_ =	shalt  }
0x4e: {  	_ =	shalt  }
0x4f: {  	_ =	shalt  }
0x50: {  	_ =	shalt  }
0x51: {  	_ =	shalt  }
0x52: {  	_ =	shalt  }
0x53: {  	_ =	shalt  }
0x54: {  	_ =	shalt  }
0x55: {  	_ =	shalt  }
0x56: {  	_ =	shalt  }
0x57: {  	_ =	shalt  }
0x58: {  	_ =	shalt  }
0x59: {  	_ =	shalt  }
0x5a: {  	_ =	shalt  }
0x5b: {  	_ =	shalt  }
0x5c: {  	_ =	shalt  }
0x5d: {  	_ =	shalt  }
0x5e: {  	_ =	shalt  }
0x5f: {  	_ =	shalt  }
0x60: {  	_ =	shalt  }
0x61: {  	_ =	shalt  }
0x62: {  	_ =	shalt  }
0x63: {  	_ =	shalt  }
0x64: {  	_ =	shalt  }
0x65: {  	_ =	shalt  }
0x66: {  	_ =	shalt  }
0x67: {  	_ =	shalt  }
0x68: {  	_ =	shalt  }
0x69: {  	_ =	shalt  }
0x6a: {  	_ =	shalt  }
0x6b: {  	_ =	shalt  }
0x6c: {  	_ =	shalt  }
0x6d: {  	_ =	shalt  }
0x6e: {  	_ =	shalt  }
0x6f: {  	_ =	shalt  }
0x70: {  	_ =	shalt  }
0x71: {  	_ =	shalt  }
0x72: {  	_ =	shalt  }
0x73: {  	_ =	shalt  }
0x74: {  	_ =	shalt  }
0x75: {  	_ =	shalt  }
0x76: {  	_ =	shalt  }
0x77: {  	_ =	shalt  }
0x78: {  	_ =	shalt  }
0x79: {  	_ =	shalt  }
0x7a: {  	_ =	shalt  }
0x7b: {  	_ =	shalt  }
0x7c: {  	_ =	shalt  }
0x7d: {  	_ =	shalt  }
0x7e: {  	_ =	shalt  }
0x7f: {  	_ =	shalt  }
0x80: {  	_ =	shalt  }
0x81: {  	_ =	shalt  }
0x82: {  	_ =	shalt  }
0x83: {  	_ =	shalt  }
0x84: {  	_ =	shalt  }
0x85: {  	_ =	shalt  }
0x86: {  	_ =	shalt  }
0x87: {  	_ =	shalt  }
.Lfunc_end0:
.L_simem_size_0:
called_computation_lowered:
.L_overlay_start_0:
0x88: {  	s2 =	sld [smem:$0x3FD9]  }
0x89: {  	s3 =	sld [smem:$0x3FFE];
	_ =	sdelay $0x1  }
0x8a: {  	s1 =	srdreg.scid  }
0x8b: {  	s0 =	sand.u32 $0x1, s1  }
0x8c: {  	s15 =	sshll.u32 s0, $0xA;
	s2 =	sadd.s32 s3, s2  }
0x8d: {  	s2 =	sadd.s32 s2, s15  }
0x8e: {  	[smem:$0x3FC4] =	sst s2  }
0x8f: {  	_ = 	snop  }
0x90: {  	s2 =	sld [smem:$0x3FD0];
	_ =	sdelay $0x2  }
0x91: {  	s4 =	simm.s32 $0xA;
	s5 =	simm.s32 $0x10;
	s16 =	sld [smem:$0x3FC6]  }
0x92: {  	[smem:s5], [sflag:s4] =	dma.local [hbm:s2], $0x1  }
0x93: {  	_ =	swait.eq [sflag:s4], $0x1  }
0x94: {  	[sflag:s4] =	ssyncset.done $0x0  }
0x95: {  	s17 =	sld [smem:$0x10];
	[sflag:s4] =	ssyncadd.s32 $0xFFFFFFFF  }
0x96: {  	s18 =	sld [smem:$0x11];
	(tm) =	ssettm $0x1  }
0x97: {  	s19 =	sld [smem:$0x3FFB];
	_ =	sdelay $0x3  }
0x98: {  	_ =	strace s19  }
0x99: {  	s5 =	sld [smem:$0x3FFC];
	_ =	sdelay $0x3  }
0x9a: {  	_ =	strace s5  }
0x9b: {  	s5 =	sld [smem:$0x3FFD];
	_ =	sdelay $0x3  }
0x9c: {  	_ =	strace s5  }
0x9d: {  	_ =	strace $0x8FFFFFFF  }
0x9e: {  	s20 =	sld [smem:$0x3FDB];
	_ =	sdelay $0x1  }
0x9f: {  	s6 =	simm.s32 $_scs_section_size  }
0xa0: {  	s7 =	simm.s32 $_size__tile_overlayer_lowered;
	s8 =	simm.s32 $_tile_overlayer_lowered  }
0xa1: {  	s23 =	simm.s32 $0x1BFF;
	s22 =	sshll.u32 s8, $0x1;
	s5 =	sadd.s32 s6, s20  }
0xa2: {  	s9 =	simm.s32 $0x0;
	s21 =	sshll.u32 s7, $0x1;
	s7 =	sadd.s32 s22, s5  }
0xa3: {  	[timem:s9], [sflag:s23] =	dma.local [hbm:s7], s21  }
0xa4: {  	_ =	swait.ge [sflag:s23], s21  }
0xa5: {  	s6 =	ssub.s32 $0x0, s21;
	[sflag:s23] =	ssyncset.done $0x0  }
0xa6: {  	[sflag:s23] =	ssyncadd.s32 s6;
	_ =	sdelay $0x1  }
0xa7: {  	s24 =	simm.s32 $0x1B8B  }
0xa8: {  	_ =	swait.ge [sflag:s24], $0x1  }
0xa9: {  	[sflag:s24] =	ssyncset.done $0x0  }
0xaa: {  	s25 =	simm.s32 $0x1B8E;
	[sflag:s24] =	ssyncadd.s32 $0xFFFFFFFF  }
0xab: {  	s26 =	simm.s32 $execute0_lowered;
	[smem:$0x3FD2] =	sst s25  }
0xac: {  	s6 =	sshll.u32 s26, $0x1;
	_ =	strace $0x80000046;
	[dreg:$0x1] =	wrdreg $0xFFFFFFFF  }
0xad: {  	s28 =	simm.s32 $_size_execute0_lowered;
	s5 =	sadd.s32 s5, s6;
	[dreg:$0x0] =	wrdreg $0x0  }
0xae: {  	s6 =	sshll.u32 s28, $0x1;
	[dreg:$0x2] =	wrdreg s5  }
0xaf: {  	[dreg:$0x3] =	wrdreg s6  }
0xb0: {  	[dreg:$0x4] =	wrdreg $0xC0  }
0xb1: {  	_ =	task [dreg:s9], $0x5FFFF  }
0xb2: {  	[dreg:$0x1] =	wrdreg $0xFFFFFFFF  }
0xb3: {  	[dreg:$0x0] =	wrdreg $0x60  }
0xb4: {  	[dreg:$0x2] =	wrdreg s16  }
0xb5: {  	[dreg:$0x3] =	wrdreg s18  }
0xb6: {  	[dreg:$0x4] =	wrdreg s17  }
0xb7: {  	[dreg:$0x5] =	wrdreg $0x9  }
0xb8: {  	_ =	task.clear_ibuf [dreg:s9], $0x6FFFF;
	_ =	strace $0x90000046  }
0xb9: {  	s29 =	simm.s32 $0x9;
	_ =	strace $0x80000048  }
0xba: {  	_ =	swait.ge [sflag:s29], $0x1  }
0xbb: {  	[sflag:s29] =	ssyncadd.s32 $0xFFFFFFFF  }
0xbc: {  	_ =	strace $0x90000048  }
0xbd: {  	_ =	sfence  }
0xbe: {  	s30 =	sld [smem:$0x0];
	_ =	sdelay $0x2  }
0xbf: {  	s31 =	sshll.u32 s1, $0xD;
	s1 =	sshrl.u32 s1, $0x2  }
0xc0: {  	s3 =	sand.u32 $0x4000, s31;
	s1 =	sadd.s32 s1, s30  }
0xc1: {  	s0 =	sor.u32 s3, s0;
	s1 =	sshll.u32 s1, $0x11  }
0xc2: {  	s0 =	sor.u32 s1, s0  }
0xc3: {  	s0 =	sadd.s32 $0x8F2B, s0  }
0xc4: {  	[sflag:s0] =	ssyncadd.remote.s32 $0x1  }
0xc5: {  	_ =	sfence.sel $0xFFFF  }
0xc6: {  	[dreg:$0x0] =	wrdreg $0xFFFFFFFF;
	(pc) =	sbr.abs _section_cstart, $3  }
0xc7: {  	[dreg:$0x1] =	wrdreg $0xFFFFFFFF  }
0xc8: {  	_ =	task.clear_ibuf [dreg:s9], $0x2FFFF;
	_ =	strace $0x9FFFFFFF  }
0xc9: {  	(tm) =	ssettm $0x7FFFFFFF  }
tec
execute0_lowered:
.L_overlay_start_1:
0x0: {  	(tag) =	ssettag $0x1  }
0x1: {  	s1 =	rddreg [dreg:$0x0]  }
0x2: {  	s4 =	rddreg [dreg:$0x1]  }
0x3: {  	s5 =	rddreg [dreg:$0x2];
	s3 =	simm.s32 $0x0  }
0x4: {  	s2 =	srdreg.scid;
	s14 =	simm.s32 $0x900;
	[smem:$0x7FF] =	sst s3  }
0x5: {  	s15 =	simm.s32 $0x1100;
	_ =	strace $0x80000047;
	[dreg:$0x8] =	wrdreg s14  }
0x6: {  	s0 =	stileid.u32;
	s16 =	simm.s32 $0x1900;
	[dreg:$0x9] =	wrdreg s15  }
0x7: {  	s17 =	simm.s32 $0x2100;
	s18 =	simm.s32 $0x2900;
	[dreg:$0xa] =	wrdreg s16  }
0x8: {  	s19 =	simm.s32 $0x3100;
	s21 =	simm.s32 $0x3900;
	[dreg:$0xb] =	wrdreg s17  }
0x9: {  	s22 =	simm.s32 $0x4900;
	s23 =	simm.s32 $0x5100;
	[dreg:$0xc] =	wrdreg s18  }
0xa: {  	s24 =	simm.s32 $0x5900;
	s25 =	simm.s32 $0x6100;
	[dreg:$0xd] =	wrdreg s19  }
0xb: {  	s8 =	simm.s32 $0x4100;
	s26 =	simm.s32 $0x6900;
	[dreg:$0xe] =	wrdreg s21  }
0xc: {  	s10 =	simm.s32 $0x7900;
	s11 =	simm.s32 $0x8100;
	[dreg:$0xf] =	wrdreg s22  }
0xd: {  	s28 =	simm.s32 $0x1;
	s29 =	simm.s32 $0x2;
	[dreg:$0x10] =	wrdreg s23  }
0xe: {  	s30 =	simm.s32 $0x3;
	s31 =	simm.s32 $0x4;
	[dreg:$0x11] =	wrdreg s24  }
0xf: {  	s2 =	sand.u32 $0x1, s2;
	s6 =	sshll.u32 s0, $0x9;
	[dreg:$0x12] =	wrdreg s25  }
0x10: {  	s7 =	sshll.u32 s2, $0x8;
	s2 =	ssub.s32 $0x2, s2;
	[dreg:$0x13] =	wrdreg s26  }
0x11: {  	s14 =	simm.s32 $0x9900;
	s15 =	simm.s32 $0xA100;
	s16 =	simm.s32 $0xA900  }
0x12: {  	s17 =	simm.s32 $0xB100;
	s18 =	simm.s32 $0xB900;
	s19 =	simm.s32 $0xC100  }
0x13: {  	s21 =	simm.s32 $0xD100;
	s22 =	simm.s32 $0xD900;
	s23 =	simm.s32 $0xE100  }
0x14: {  	s24 =	simm.s32 $0xE900;
	s25 =	simm.s32 $0xF100;
	s6 =	sor.u32 s7, s6  }
0x15: {  	s26 =	simm.s32 $0xF900;
	s7 =	sshrl.u32 s6, $0x3;
	s6 =	sshll.u32 s6, $0x5  }
0x16: {  	s20 =	sshrl.u32 s2, $0x1;
	s7 =	sadd.s32 s4, s7;
	s4 =	sadd.s32 s5, s6  }
0x17: {  	s2 =	ssub.s32 s2, s20;
	[dreg:$0x4] =	wrdreg s7;
	s5 =	sadd.s32 $0x800, s4  }
0x18: {  	s20 =	simm.s32 $0xC900;
	s12 =	sadd.s32 $0x1000, s4;
	[dreg:$0x5] =	wrdreg s5  }
0x19: {  	v2 =	vlaneseq.u32;
	s6 =	simm.s32 $0x6;
	s13 =	sadd.s32 $0x1800, s4;
	[dreg:$0x6] =	wrdreg s12  }
0x1a: {  	vm0 =	vmmov $0xffff;
	v1 =	vshrl.u32 v2, $0x3;
	s7 =	simm.s32 $0x100;
	[dreg:$0x7] =	wrdreg s13;
	s5 =	smax.u32 s2, $0x1  }
0x1b: {  	v0 =	vand.u32 $0x7, v2;
	v2 =	vor.u32 $0x8, v2;
	v1 =	vmul.u32 $0x8, v1;
	s12 =	simm.s32 $0x8900;
	s13 =	simm.s32 $0x9100;
	s2 =	simm.s32 $0x5  }
.LBB2_1:
0x1c: {  	s0 =	rddreg [dreg:$0x4]  }
0x1d: {  	[tilespmem:s3], [sflag:$0x6] =	stream.linear.gather [hbm4b:s0+s3], $0x100, $0x38;
	[tilespmem:$0x10100] =	vst v63  }
0x1e: {  	_ =	swait.ge [sflag:s6], $0x100  }
0x1f: {  	[sflag:s6] =	ssyncset.done $0x0  }
0x20: {  	[sflag:s6] =	ssyncadd.s32 $0xFFFFFF00  }
0x21: {  	v3 =	vld [tilespmem:$0x0];
	_ =	sdelay $0x4  }
0x22: {  	v4 =	vshll.u32 v3, $0x1  }
0x23: {  	v3 =	vand.u32 $0x7, v3;
	v4 =	vand.u32 $0xFFFFFFF0, v4  }
0x24: {  	v3 =	vor.u32 v3, v4  }
0x25: {  	v4 =	vperm.xlane v3, v0;
	_ =	sdelay $0x1  }
0x26: {  	v3 =	vperm.xlane v3, v2;
	v4 =	vadd.s32 v1, v4;
	_ =	sdelay $0x1  }
0x27: {  	v3 =	vadd.s32 v1, v3;
	_ =	sdelay $0x2  }
0x28: {  	[tilespmem:s7], [sflag:$0x1] =	stream.indirect_vreg.gather [hbm4b:s1+s3], $0x80, v4, vm0, $0xb8;
	[tilespmem:$0x10100] =	vst v63  }
0x29: {  	s9 =	rddreg [dreg:$0x8]  }
0x2a: {  	[tilespmem:s9], [sflag:$0x1] =	stream.indirect_vreg.gather [hbm4b:s1+s3], $0x80, v3, vm0, $0xb8;
	[tilespmem:$0x10100] =	vst v63  }
0x2b: {  	v3 =	vld [tilespmem:$0x10];
	_ =	sdelay $0x4  }
0x2c: {  	v49 =	vshll.u32 v3, $0x1  }
0x2d: {  	v3 =	vand.u32 $0x7, v3;
	v4 =	vand.u32 $0xFFFFFFF0, v49  }
0x2e: {  	v3 =	vor.u32 v3, v4  }
0x2f: {  	v4 =	vperm.xlane v3, v0;
	_ =	sdelay $0x1  }
0x30: {  	v3 =	vperm.xlane v3, v2;
	v4 =	vadd.s32 v1, v4;
	_ =	sdelay $0x1  }
0x31: {  	v3 =	vadd.s32 v1, v3;
	_ =	sdelay $0x1  }
0x32: {  	s0 =	rddreg [dreg:$0x9]  }
0x33: {  	[tilespmem:s0], [sflag:$0x1] =	stream.indirect_vreg.gather [hbm4b:s1+s3], $0x80, v4, vm0, $0xb8;
	[tilespmem:$0x10100] =	vst v63  }
0x34: {  	s9 =	rddreg [dreg:$0xa]  }
0x35: {  	[tilespmem:s9], [sflag:$0x1] =	stream.indirect_vreg.gather [hbm4b:s1+s3], $0x80, v3, vm0, $0xb8;
	[tilespmem:$0x10100] =	vst v63  }
0x36: {  	v3 =	vld [tilespmem:$0x20];
	_ =	sdelay $0x4  }
0x37: {  	v50 =	vshll.u32 v3, $0x1  }
0x38: {  	v3 =	vand.u32 $0x7, v3;
	v4 =	vand.u32 $0xFFFFFFF0, v50  }
0x39: {  	v3 =	vor.u32 v3, v4  }
0x3a: {  	v4 =	vperm.xlane v3, v0;
	_ =	sdelay $0x1  }
0x3b: {  	v3 =	vperm.xlane v3, v2;
	v4 =	vadd.s32 v1, v4;
	_ =	sdelay $0x1  }
0x3c: {  	v3 =	vadd.s32 v1, v3;
	_ =	sdelay $0x1  }
0x3d: {  	s0 =	rddreg [dreg:$0xb]  }
0x3e: {  	[tilespmem:s0], [sflag:$0x1] =	stream.indirect_vreg.gather [hbm4b:s1+s3], $0x80, v4, vm0, $0xb8;
	[tilespmem:$0x10100] =	vst v63  }
0x3f: {  	s9 =	rddreg [dreg:$0xc]  }
0x40: {  	[tilespmem:s9], [sflag:$0x1] =	stream.indirect_vreg.gather [hbm4b:s1+s3], $0x80, v3, vm0, $0xb8;
	[tilespmem:$0x10100] =	vst v63  }
0x41: {  	v3 =	vld [tilespmem:$0x30];
	_ =	sdelay $0x4  }
0x42: {  	v51 =	vshll.u32 v3, $0x1  }
0x43: {  	v3 =	vand.u32 $0x7, v3;
	v4 =	vand.u32 $0xFFFFFFF0, v51  }
0x44: {  	v3 =	vor.u32 v3, v4  }
0x45: {  	v4 =	vperm.xlane v3, v0;
	_ =	sdelay $0x1  }
0x46: {  	v3 =	vperm.xlane v3, v2;
	v4 =	vadd.s32 v1, v4;
	_ =	sdelay $0x1  }
0x47: {  	v3 =	vadd.s32 v1, v3;
	_ =	sdelay $0x1  }
0x48: {  	s0 =	rddreg [dreg:$0xd]  }
0x49: {  	[tilespmem:s0], [sflag:$0x1] =	stream.indirect_vreg.gather [hbm4b:s1+s3], $0x80, v4, vm0, $0xb8;
	[tilespmem:$0x10100] =	vst v63  }
0x4a: {  	s9 =	rddreg [dreg:$0xe]  }
0x4b: {  	[tilespmem:s9], [sflag:$0x1] =	stream.indirect_vreg.gather [hbm4b:s1+s3], $0x80, v3, vm0, $0xb8;
	[tilespmem:$0x10100] =	vst v63  }
0x4c: {  	v3 =	vld [tilespmem:$0x40];
	_ =	sdelay $0x4  }
0x4d: {  	v52 =	vshll.u32 v3, $0x1  }
0x4e: {  	v3 =	vand.u32 $0x7, v3;
	v4 =	vand.u32 $0xFFFFFFF0, v52  }
0x4f: {  	v3 =	vor.u32 v3, v4  }
0x50: {  	v4 =	vperm.xlane v3, v0;
	_ =	sdelay $0x1  }
0x51: {  	v3 =	vperm.xlane v3, v2;
	v4 =	vadd.s32 v1, v4;
	_ =	sdelay $0x1  }
0x52: {  	v3 =	vadd.s32 v1, v3;
	_ =	sdelay $0x2  }
0x53: {  	[tilespmem:s8], [sflag:$0x2] =	stream.indirect_vreg.gather [hbm4b:s1+s3], $0x80, v4, vm0, $0xb8;
	[tilespmem:$0x10100] =	vst v63  }
0x54: {  	s9 =	rddreg [dreg:$0xf]  }
0x55: {  	[tilespmem:s9], [sflag:$0x2] =	stream.indirect_vreg.gather [hbm4b:s1+s3], $0x80, v3, vm0, $0xb8;
	[tilespmem:$0x10100] =	vst v63  }
0x56: {  	v3 =	vld [tilespmem:$0x50];
	_ =	sdelay $0x4  }
0x57: {  	v53 =	vshll.u32 v3, $0x1  }
0x58: {  	v3 =	vand.u32 $0x7, v3;
	v4 =	vand.u32 $0xFFFFFFF0, v53  }
0x59: {  	v3 =	vor.u32 v3, v4  }
0x5a: {  	v4 =	vperm.xlane v3, v0;
	_ =	sdelay $0x1  }
0x5b: {  	v3 =	vperm.xlane v3, v2;
	v4 =	vadd.s32 v1, v4;
	_ =	sdelay $0x1  }
0x5c: {  	v3 =	vadd.s32 v1, v3;
	_ =	sdelay $0x1  }
0x5d: {  	s0 =	rddreg [dreg:$0x10]  }
0x5e: {  	[tilespmem:s0], [sflag:$0x2] =	stream.indirect_vreg.gather [hbm4b:s1+s3], $0x80, v4, vm0, $0xb8;
	[tilespmem:$0x10100] =	vst v63  }
0x5f: {  	s9 =	rddreg [dreg:$0x11]  }
0x60: {  	[tilespmem:s9], [sflag:$0x2] =	stream.indirect_vreg.gather [hbm4b:s1+s3], $0x80, v3, vm0, $0xb8;
	[tilespmem:$0x10100] =	vst v63  }
0x61: {  	v3 =	vld [tilespmem:$0x60];
	_ =	sdelay $0x4  }
0x62: {  	v54 =	vshll.u32 v3, $0x1  }
0x63: {  	v3 =	vand.u32 $0x7, v3;
	v4 =	vand.u32 $0xFFFFFFF0, v54  }
0x64: {  	v3 =	vor.u32 v3, v4  }
0x65: {  	v4 =	vperm.xlane v3, v0;
	_ =	sdelay $0x1  }
0x66: {  	v3 =	vperm.xlane v3, v2;
	v4 =	vadd.s32 v1, v4;
	_ =	sdelay $0x1  }
0x67: {  	v3 =	vadd.s32 v1, v3;
	_ =	sdelay $0x1  }
0x68: {  	s0 =	rddreg [dreg:$0x12]  }
0x69: {  	[tilespmem:s0], [sflag:$0x2] =	stream.indirect_vreg.gather [hbm4b:s1+s3], $0x80, v4, vm0, $0xb8;
	[tilespmem:$0x10100] =	vst v63  }
0x6a: {  	s9 =	rddreg [dreg:$0x13]  }
0x6b: {  	[tilespmem:s9], [sflag:$0x2] =	stream.indirect_vreg.gather [hbm4b:s1+s3], $0x80, v3, vm0, $0xb8;
	[tilespmem:$0x10100] =	vst v63  }
0x6c: {  	v3 =	vld [tilespmem:$0x70];
	_ =	sdelay $0x4  }
0x6d: {  	v55 =	vshll.u32 v3, $0x1  }
0x6e: {  	v3 =	vand.u32 $0x7, v3;
	v4 =	vand.u32 $0xFFFFFFF0, v55  }
0x6f: {  	v3 =	vor.u32 v3, v4  }
0x70: {  	v4 =	vperm.xlane v3, v0;
	_ =	sdelay $0x1  }
0x71: {  	v3 =	vperm.xlane v3, v2;
	v4 =	vadd.s32 v1, v4;
	_ =	sdelay $0x1  }
0x72: {  	v3 =	vadd.s32 v1, v3;
	_ =	sdelay $0x1  }
0x73: {  	s9 =	simm.s32 $0x7100  }
0x74: {  	[tilespmem:s9], [sflag:$0x2] =	stream.indirect_vreg.gather [hbm4b:s1+s3], $0x80, v4, vm0, $0xb8;
	[tilespmem:$0x10100] =	vst v63  }
0x75: {  	_ = 	snop  }
0x76: {  	[tilespmem:s10], [sflag:$0x2] =	stream.indirect_vreg.gather [hbm4b:s1+s3], $0x80, v3, vm0, $0xb8;
	[tilespmem:$0x10100] =	vst v63  }
0x77: {  	v3 =	vld [tilespmem:$0x80];
	_ =	sdelay $0x4  }
0x78: {  	v56 =	vshll.u32 v3, $0x1  }
0x79: {  	v3 =	vand.u32 $0x7, v3;
	v4 =	vand.u32 $0xFFFFFFF0, v56  }
0x7a: {  	v3 =	vor.u32 v3, v4  }
0x7b: {  	v4 =	vperm.xlane v3, v0;
	_ =	sdelay $0x1  }
0x7c: {  	v3 =	vperm.xlane v3, v2;
	v4 =	vadd.s32 v1, v4;
	_ =	sdelay $0x1  }
0x7d: {  	v3 =	vadd.s32 v1, v3;
	_ =	sdelay $0x2  }
0x7e: {  	[tilespmem:s11], [sflag:$0x3] =	stream.indirect_vreg.gather [hbm4b:s1+s3], $0x80, v4, vm0, $0xb8;
	[tilespmem:$0x10100] =	vst v63  }
0x7f: {  	_ = 	snop  }
0x80: {  	[tilespmem:s12], [sflag:$0x3] =	stream.indirect_vreg.gather [hbm4b:s1+s3], $0x80, v3, vm0, $0xb8;
	[tilespmem:$0x10100] =	vst v63  }
0x81: {  	v3 =	vld [tilespmem:$0x90];
	_ =	sdelay $0x4  }
0x82: {  	v57 =	vshll.u32 v3, $0x1  }
0x83: {  	v3 =	vand.u32 $0x7, v3;
	v4 =	vand.u32 $0xFFFFFFF0, v57  }
0x84: {  	v3 =	vor.u32 v3, v4  }
0x85: {  	v4 =	vperm.xlane v3, v0;
	_ =	sdelay $0x1  }
0x86: {  	v3 =	vperm.xlane v3, v2;
	v4 =	vadd.s32 v1, v4;
	_ =	sdelay $0x1  }
0x87: {  	v3 =	vadd.s32 v1, v3;
	_ =	sdelay $0x2  }
0x88: {  	[tilespmem:s13], [sflag:$0x3] =	stream.indirect_vreg.gather [hbm4b:s1+s3], $0x80, v4, vm0, $0xb8;
	[tilespmem:$0x10100] =	vst v63  }
0x89: {  	_ = 	snop  }
0x8a: {  	[tilespmem:s14], [sflag:$0x3] =	stream.indirect_vreg.gather [hbm4b:s1+s3], $0x80, v3, vm0, $0xb8;
	[tilespmem:$0x10100] =	vst v63  }
0x8b: {  	v3 =	vld [tilespmem:$0xA0];
	_ =	sdelay $0x4  }
0x8c: {  	v58 =	vshll.u32 v3, $0x1  }
0x8d: {  	v3 =	vand.u32 $0x7, v3;
	v4 =	vand.u32 $0xFFFFFFF0, v58  }
0x8e: {  	v3 =	vor.u32 v3, v4  }
0x8f: {  	v4 =	vperm.xlane v3, v0;
	_ =	sdelay $0x1  }
0x90: {  	v3 =	vperm.xlane v3, v2;
	v4 =	vadd.s32 v1, v4;
	_ =	sdelay $0x1  }
0x91: {  	v3 =	vadd.s32 v1, v3;
	_ =	sdelay $0x2  }
0x92: {  	[tilespmem:s15], [sflag:$0x3] =	stream.indirect_vreg.gather [hbm4b:s1+s3], $0x80, v4, vm0, $0xb8;
	[tilespmem:$0x10100] =	vst v63  }
0x93: {  	_ = 	snop  }
0x94: {  	[tilespmem:s16], [sflag:$0x3] =	stream.indirect_vreg.gather [hbm4b:s1+s3], $0x80, v3, vm0, $0xb8;
	[tilespmem:$0x10100] =	vst v63  }
0x95: {  	v3 =	vld [tilespmem:$0xB0];
	_ =	sdelay $0x4  }
0x96: {  	v59 =	vshll.u32 v3, $0x1  }
0x97: {  	v3 =	vand.u32 $0x7, v3;
	v4 =	vand.u32 $0xFFFFFFF0, v59  }
0x98: {  	v3 =	vor.u32 v3, v4  }
0x99: {  	v4 =	vperm.xlane v3, v0;
	_ =	sdelay $0x1  }
0x9a: {  	v3 =	vperm.xlane v3, v2;
	v4 =	vadd.s32 v1, v4;
	_ =	sdelay $0x1  }
0x9b: {  	v3 =	vadd.s32 v1, v3;
	_ =	sdelay $0x2  }
0x9c: {  	[tilespmem:s17], [sflag:$0x3] =	stream.indirect_vreg.gather [hbm4b:s1+s3], $0x80, v4, vm0, $0xb8;
	[tilespmem:$0x10100] =	vst v63  }
0x9d: {  	_ = 	snop  }
0x9e: {  	[tilespmem:s18], [sflag:$0x3] =	stream.indirect_vreg.gather [hbm4b:s1+s3], $0x80, v3, vm0, $0xb8;
	[tilespmem:$0x10100] =	vst v63  }
0x9f: {  	v3 =	vld [tilespmem:$0xC0];
	_ =	sdelay $0x4  }
0xa0: {  	v60 =	vshll.u32 v3, $0x1  }
0xa1: {  	v3 =	vand.u32 $0x7, v3;
	v4 =	vand.u32 $0xFFFFFFF0, v60  }
0xa2: {  	v3 =	vor.u32 v3, v4  }
0xa3: {  	v4 =	vperm.xlane v3, v0;
	_ =	sdelay $0x1  }
0xa4: {  	v3 =	vperm.xlane v3, v2;
	v4 =	vadd.s32 v1, v4;
	_ =	sdelay $0x1  }
0xa5: {  	v3 =	vadd.s32 v1, v3;
	_ =	sdelay $0x2  }
0xa6: {  	[tilespmem:s19], [sflag:$0x4] =	stream.indirect_vreg.gather [hbm4b:s1+s3], $0x80, v4, vm0, $0xb8;
	[tilespmem:$0x10100] =	vst v63  }
0xa7: {  	_ = 	snop  }
0xa8: {  	[tilespmem:s20], [sflag:$0x4] =	stream.indirect_vreg.gather [hbm4b:s1+s3], $0x80, v3, vm0, $0xb8;
	[tilespmem:$0x10100] =	vst v63  }
0xa9: {  	v3 =	vld [tilespmem:$0xD0];
	_ =	sdelay $0x4  }
0xaa: {  	v61 =	vshll.u32 v3, $0x1  }
0xab: {  	v3 =	vand.u32 $0x7, v3;
	v4 =	vand.u32 $0xFFFFFFF0, v61  }
0xac: {  	v3 =	vor.u32 v3, v4  }
0xad: {  	v4 =	vperm.xlane v3, v0;
	_ =	sdelay $0x1  }
0xae: {  	v3 =	vperm.xlane v3, v2;
	v4 =	vadd.s32 v1, v4;
	_ =	sdelay $0x1  }
0xaf: {  	v3 =	vadd.s32 v1, v3;
	_ =	sdelay $0x2  }
0xb0: {  	[tilespmem:s21], [sflag:$0x4] =	stream.indirect_vreg.gather [hbm4b:s1+s3], $0x80, v4, vm0, $0xb8;
	[tilespmem:$0x10100] =	vst v63  }
0xb1: {  	_ = 	snop  }
0xb2: {  	[tilespmem:s22], [sflag:$0x4] =	stream.indirect_vreg.gather [hbm4b:s1+s3], $0x80, v3, vm0, $0xb8;
	[tilespmem:$0x10100] =	vst v63  }
0xb3: {  	v3 =	vld [tilespmem:$0xE0];
	_ =	sdelay $0x4  }
0xb4: {  	v62 =	vshll.u32 v3, $0x1  }
0xb5: {  	v3 =	vand.u32 $0x7, v3;
	v4 =	vand.u32 $0xFFFFFFF0, v62  }
0xb6: {  	v3 =	vor.u32 v3, v4  }
0xb7: {  	v4 =	vperm.xlane v3, v0;
	_ =	sdelay $0x1  }
0xb8: {  	v3 =	vperm.xlane v3, v2;
	v4 =	vadd.s32 v1, v4;
	_ =	sdelay $0x1  }
0xb9: {  	v3 =	vadd.s32 v1, v3;
	_ =	sdelay $0x2  }
0xba: {  	[tilespmem:s23], [sflag:$0x4] =	stream.indirect_vreg.gather [hbm4b:s1+s3], $0x80, v4, vm0, $0xb8;
	[tilespmem:$0x10100] =	vst v63  }
0xbb: {  	_ = 	snop  }
0xbc: {  	[tilespmem:s24], [sflag:$0x4] =	stream.indirect_vreg.gather [hbm4b:s1+s3], $0x80, v3, vm0, $0xb8;
	[tilespmem:$0x10100] =	vst v63  }
0xbd: {  	v3 =	vld [tilespmem:$0xF0];
	_ =	sdelay $0x4  }
0xbe: {  	v63 =	vshll.u32 v3, $0x1  }
0xbf: {  	v3 =	vand.u32 $0x7, v3;
	v4 =	vand.u32 $0xFFFFFFF0, v63  }
0xc0: {  	v3 =	vor.u32 v3, v4  }
0xc1: {  	v4 =	vperm.xlane v3, v0;
	_ =	sdelay $0x1  }
0xc2: {  	v3 =	vperm.xlane v3, v2;
	v4 =	vadd.s32 v1, v4;
	_ =	sdelay $0x1  }
0xc3: {  	v3 =	vadd.s32 v1, v3;
	_ =	sdelay $0x2  }
0xc4: {  	[tilespmem:s25], [sflag:$0x4] =	stream.indirect_vreg.gather [hbm4b:s1+s3], $0x80, v4, vm0, $0xb8;
	[tilespmem:$0x10100] =	vst v63  }
0xc5: {  	_ = 	snop  }
0xc6: {  	[tilespmem:s26], [sflag:$0x4] =	stream.indirect_vreg.gather [hbm4b:s1+s3], $0x80, v3, vm0, $0xb8;
	[tilespmem:$0x10100] =	vst v63  }
0xc7: {  	_ =	swait.ge [sflag:s28], $0x4000  }
0xc8: {  	[sflag:s28] =	ssyncset.done $0x0  }
0xc9: {  	[sflag:s28] =	ssyncadd.s32 $0xFFFFC000  }
0xca: {  	[hbm4b:s4+s3] =	stream.linear.scatter [tilespmem:s7], [sflag:$0x5], $0x4000, $0x38;
	[tilespmem:$0x10100] =	vst v63  }
0xcb: {  	_ =	swait.ge [sflag:s29], $0x4000  }
0xcc: {  	[sflag:s29] =	ssyncset.done $0x0  }
0xcd: {  	s9 =	rddreg [dreg:$0x5];
	[sflag:s29] =	ssyncadd.s32 $0xFFFFC000  }
0xce: {  	[hbm4b:s9+s3] =	stream.linear.scatter [tilespmem:s8], [sflag:$0x5], $0x4000, $0x38;
	[tilespmem:$0x10100] =	vst v63  }
0xcf: {  	_ =	swait.ge [sflag:s30], $0x4000  }
0xd0: {  	[sflag:s30] =	ssyncset.done $0x0  }
0xd1: {  	s9 =	rddreg [dreg:$0x6];
	[sflag:s30] =	ssyncadd.s32 $0xFFFFC000  }
0xd2: {  	[hbm4b:s9+s3] =	stream.linear.scatter [tilespmem:s11], [sflag:$0x5], $0x4000, $0x38;
	[tilespmem:$0x10100] =	vst v63  }
0xd3: {  	_ =	swait.ge [sflag:s31], $0x4000  }
0xd4: {  	[sflag:s31] =	ssyncset.done $0x0  }
0xd5: {  	s9 =	rddreg [dreg:$0x7];
	[sflag:s31] =	ssyncadd.s32 $0xFFFFC000  }
0xd6: {  	[hbm4b:s9+s3] =	stream.linear.scatter [tilespmem:s19], [sflag:$0x5], $0x4000, $0x38;
	[tilespmem:$0x10100] =	vst v63  }
0xd7: {  	_ =	swait.ge [sflag:s2], $0x4000  }
0xd8: {  	[sflag:s2] =	ssyncset.done $0x0  }
0xd9: {  	[sflag:s2] =	ssyncadd.s32 $0xFFFFC000  }
0xda: {  	_ =	swait.ge [sflag:s2], $0x4000  }
0xdb: {  	[sflag:s2] =	ssyncset.done $0x0  }
0xdc: {  	[sflag:s2] =	ssyncadd.s32 $0xFFFFC000  }
0xdd: {  	p0 =	sne.s32 s5, $0x1;
	_ =	swait.ge [sflag:s2], $0x4000  }
.Ltmp0:
0xde: {  	[sflag:s2] =	ssyncset.done $0x0;
	(pc) =	sbr.rel @p0 .LBB2_1-.Ltmp0, $4  }
0xdf: {  	[sflag:s2] =	ssyncadd.s32 $0xFFFFC000  }
0xe0: {  	_ =	swait.ge [sflag:s2], $0x4000  }
0xe1: {  	[sflag:s2] =	ssyncset.done $0x0  }
0xe2: {  	s5 =	sadd.s32 $0xFFFFFFFF, s5;
	[sflag:s2] =	ssyncadd.s32 $0xFFFFC000  }
0xe3: {  	_ =	sfence.sel $0x180000  }
0xe4: {  	[bflag:$0x0] =	sbarrier.arrive $0xFFFF  }
0xe5: {  	_ =	strace $0x90000047  }
0xe6: {  	s0 =	stileid.u32;
	[bflag:$0x2] =	sbarrier.arrive $0xFFFF  }
0xe7: {  	p0 =	sne.s32 s0, $0x0;
	s0 =	rddreg [dreg:$0x3]  }
0xe8: {  	s0 =	sadd.s32 @!p0 $0x100000, s0  }
0xe9: {  	[sflag:s0] =	ssyncadd.tile.s32 @!p0 $0x1;
	_ =	shalt  }
.Lfunc_end2:
_tile_overlayer_lowered:
.L_overlay_start_2:
0xea: {  	(tag) =	ssettag $0x2  }
0xeb: {  	s0 =	rddreg [dreg:$0x0];
	s2 =	stileid.u32  }
0xec: {  	s1 =	rddreg [dreg:$0x1];
	p0 =	sne.s32 s2, $0x0  }
0xed: {  	s3 =	rddreg [dreg:$0x2];
	[bflag:$0x3] =	sbarrier.arrive $0xFFFF;
	s2 =	simm.s32 @!p0 $0x1C06  }
0xee: {  	[timem:s3], [sflag:s2] =	dma.local @!p0 [hbm:s0], s1  }
0xef: {  	s0 =	simm.s32 @!p0 $0x6  }
0xf0: {  	_ =	swait.ge @!p0 [sflag:s0], s1  }
0xf1: {  	s1 =	ssub.s32 @!p0 $0x0, s1;
	[sflag:s0] =	ssyncset.done @!p0 $0x0  }
0xf2: {  	[sflag:s0] =	ssyncadd.s32 @!p0 s1  }
0xf3: {  	[bflag:$0x3] =	sbarrier.arrive $0xFFFF  }
0xf4: {  	_ =	shalt  }

</sc_bundles>
